<compile_context>
chip_gen: v7x
topology: tpu7x:2x2x1
jax: 0.10.2.dev20260603
libtpu: 0.0.44.dev20260713+nightly
codegen_flags: <defaults>
</compile_context>

<pallas_src>
import numpy as np
import jax
import jax.numpy as jnp
from jax.experimental import pallas as pl

_EDGES = [(11, 12), (11, 23), (12, 24), (23, 24), (23, 25), (25, 27),
          (24, 26), (26, 28), (11, 13), (13, 15), (12, 14), (14, 16)]
_J = 33
_D = 64
_GRP = 8
_ROWS_G = _J * _GRP
_G2 = 8
_R = _ROWS_G * _G2


def _build_m_block():
    nb = {i: [i] for i in range(_J)}
    for a, b in _EDGES:
        nb[a].append(b)
        nb[b].append(a)
    m = np.zeros((_J, _J), np.float32)
    for j, ks in nb.items():
        w = 1.0 / len(ks)
        for k in ks:
            m[j, k] = w
    return np.kron(np.eye(_GRP, dtype=np.float32), m)


_M_BLOCK = _build_m_block()


def _body(x_ref, v_ref, m_ref, wc_ref, bc_ref, whh_ref, bhh_ref, o_ref):
    x = x_ref[...]
    v = v_ref[...]
    wf = x * v
    m = m_ref[...]
    aggs = []
    for g in range(_G2):
        blk = wf[g * _ROWS_G:(g + 1) * _ROWS_G, :]
        aggs.append(jnp.dot(m, blk, preferred_element_type=jnp.float32))
    agg = jnp.concatenate(aggs, axis=0)
    gi = jnp.dot(agg, wc_ref[...],
                 preferred_element_type=jnp.float32) + bc_ref[...]
    gh = jnp.dot(x, whh_ref[...],
                 preferred_element_type=jnp.float32) + bhh_ref[...]
    rz = jax.nn.sigmoid(gi + gh)
    r = rz[:, :_D]
    z = rz[:, _D:2 * _D]
    n = jnp.tanh(gi[:, 2 * _D:] + r * gh[:, 2 * _D:])
    o_ref[...] = (1.0 - z) * n + z * x


def kernel(joint_feats, visibility, W_msg, b_msg, W_ih, W_hh, b_ih, b_hh):
    B, J, D = joint_feats.shape
    rows = B * J
    x2 = joint_feats.reshape(rows, D)
    v2 = visibility.reshape(rows, 1)
    Wc = W_ih @ W_msg
    bc = b_ih + W_ih @ b_msg
    pad = (-rows) % _R
    if pad:
        x2 = jnp.pad(x2, ((0, pad), (0, 0)))
        v2 = jnp.pad(v2, ((0, pad), (0, 0)))
    grid = (rows + pad) // _R
    out = pl.pallas_call(
        _body,
        grid=(grid,),
        in_specs=[
            pl.BlockSpec((_R, D), lambda i: (i, 0)),
            pl.BlockSpec((_R, 1), lambda i: (i, 0)),
            pl.BlockSpec((_ROWS_G, _ROWS_G), lambda i: (0, 0)),
            pl.BlockSpec((D, 3 * D), lambda i: (0, 0)),
            pl.BlockSpec((1, 3 * D), lambda i: (0, 0)),
            pl.BlockSpec((D, 3 * D), lambda i: (0, 0)),
            pl.BlockSpec((1, 3 * D), lambda i: (0, 0)),
        ],
        out_specs=pl.BlockSpec((_R, D), lambda i: (i, 0)),
        out_shape=jax.ShapeDtypeStruct((rows + pad, D), jnp.float32),
    )(x2, v2, jnp.asarray(_M_BLOCK), Wc.T, bc.reshape(1, 3 * D),
      W_hh.T, b_hh.reshape(1, 3 * D))
    return out[:rows].reshape(B, J, D)

# --- scband reference (transcript-rebuilt; emitter-appended) ---
"""Pipeline reference for scband-skeleton-gnn-71004399338036 (READ-ONLY COPY).

The authoritative reference and input builder live on the scoring server;
editing this copy changes nothing except your own understanding.
"""

import jax, jax.numpy as jnp
import numpy as np

EDGES = [(11, 12), (11, 23), (12, 24), (23, 24), (23, 25), (25, 27), (24, 26), (26, 28), (11, 13), (13, 15), (12, 14), (14, 16)]
NUM_JOINTS = 33
FEAT_DIM = 64


def build_neighbors(num_joints=NUM_JOINTS):
    nb = {i: [i] for i in range(num_joints)}
    for a, b in EDGES:
        nb[a].append(b)
        nb[b].append(a)
    return nb

NEIGHBORS = build_neighbors()


def setup_inputs(seed: int = 0) -> dict:
    key = jax.random.key(seed)
    ks = jax.random.split(key, 8)
    B, J, D = 16384, NUM_JOINTS, FEAT_DIM
    joint_feats = jax.random.normal(ks[0], (B, J, D), dtype=jnp.float32)
    visibility = jax.random.uniform(ks[1], (B, J), dtype=jnp.float32)
    s_lin = 1.0 / np.sqrt(D)
    W_msg = jax.random.uniform(ks[2], (D, D), dtype=jnp.float32, minval=-s_lin, maxval=s_lin)
    b_msg = jax.random.uniform(ks[3], (D,), dtype=jnp.float32, minval=-s_lin, maxval=s_lin)
    s_gru = 1.0 / np.sqrt(D)
    W_ih = jax.random.uniform(ks[4], (3 * D, D), dtype=jnp.float32, minval=-s_gru, maxval=s_gru)
    W_hh = jax.random.uniform(ks[5], (3 * D, D), dtype=jnp.float32, minval=-s_gru, maxval=s_gru)
    b_ih = jax.random.uniform(ks[6], (3 * D,), dtype=jnp.float32, minval=-s_gru, maxval=s_gru)
    b_hh = jax.random.uniform(ks[7], (3 * D,), dtype=jnp.float32, minval=-s_gru, maxval=s_gru)
    return {"joint_feats": joint_feats, "visibility": visibility, "W_msg": W_msg, "b_msg": b_msg, "W_ih": W_ih, "W_hh": W_hh, "b_ih": b_ih, "b_hh": b_hh}


def _gru_cell(x, h, W_ih, W_hh, b_ih, b_hh):
    gi = x @ W_ih.T + b_ih
    gh = h @ W_hh.T + b_hh
    i_r, i_z, i_n = jnp.split(gi, 3, axis=-1)
    h_r, h_z, h_n = jnp.split(gh, 3, axis=-1)
    r = jax.nn.sigmoid(i_r + h_r)
    z = jax.nn.sigmoid(i_z + h_z)
    n = jnp.tanh(i_n + r * h_n)
    return (1.0 - z) * n + z * h


def reference(joint_feats, visibility, W_msg, b_msg, W_ih, W_hh, b_ih, b_hh):
    B, J, D = joint_feats.shape
    outs = []
    for j in range(J):
        nbrs = jnp.asarray(NEIGHBORS[j], dtype=jnp.int32)
        neighbor_feats = jnp.take(joint_feats, nbrs, axis=1)
        vis_weights = jnp.take(visibility, nbrs, axis=1)[..., None]
        neighbor_feats = neighbor_feats * vis_weights
        msgs = (neighbor_feats @ W_msg.T + b_msg).mean(axis=1)
        h = joint_feats[:, j, :]
        outs.append(_gru_cell(msgs, h, W_ih, W_hh, b_ih, b_hh))
    return jnp.stack(outs, axis=1)

if __name__ == "__main__":
    import jax
    _d = setup_inputs()
    print(jax.jit(kernel)(*tuple(_d.values())))

</pallas_src>

<mosaic_0001>
module attributes {stable_mosaic.version = 14 : i64} {
  func.func @_body(%arg0: i32, %arg1: memref<2112x64xf32, #tpu.memory_space<vmem>>, %arg2: memref<2112x1xf32, #tpu.memory_space<vmem>>, %arg3: memref<264x264xf32, #tpu.memory_space<vmem>>, %arg4: memref<64x192xf32, #tpu.memory_space<vmem>>, %arg5: memref<1x192xf32, #tpu.memory_space<vmem>>, %arg6: memref<64x192xf32, #tpu.memory_space<vmem>>, %arg7: memref<1x192xf32, #tpu.memory_space<vmem>>, %arg8: memref<2112x64xf32, #tpu.memory_space<vmem>>) attributes {dimension_semantics = [#tpu.dimension_semantics<arbitrary>], iteration_bounds = array<i64: 256>, scalar_prefetch = 0 : i64, scratch_operands = 0 : i64, tpu.core_type = #tpu.core_type<tc>, window_params = [{transform_indices = @transform_0, window_bounds = array<i64: 2112, 64>}, {transform_indices = @transform_1, window_bounds = array<i64: 2112, 1>}, {pipeline_mode = #tpu.pipeline_mode<synchronous>, transform_indices = @transform_2, window_bounds = array<i64: 264, 264>}, {pipeline_mode = #tpu.pipeline_mode<synchronous>, transform_indices = @transform_3, window_bounds = array<i64: 64, 192>}, {pipeline_mode = #tpu.pipeline_mode<synchronous>, transform_indices = @transform_4, window_bounds = array<i64: 1, 192>}, {pipeline_mode = #tpu.pipeline_mode<synchronous>, transform_indices = @transform_5, window_bounds = array<i64: 64, 192>}, {pipeline_mode = #tpu.pipeline_mode<synchronous>, transform_indices = @transform_6, window_bounds = array<i64: 1, 192>}, {transform_indices = @transform_7, window_bounds = array<i64: 2112, 64>}]} {
    %get3A = arith.constant 0 : index
    %get3A_0 = arith.constant 0 : index
    %get3A_1 = vector.load %arg1[%get3A, %get3A_0] : memref<2112x64xf32, #tpu.memory_space<vmem>>, vector<2112x64xf32>
    %get3A_2 = arith.constant 0 : index
    %get3A_3 = arith.constant 0 : index
    %get3A_4 = vector.load %arg2[%get3A_2, %get3A_3] : memref<2112x1xf32, #tpu.memory_space<vmem>>, vector<2112x1xf32>
    %mul3A = vector.broadcast %get3A_4 : vector<2112x1xf32> to vector<2112x64xf32>
    %mul3A_5 = arith.mulf %get3A_1, %mul3A : vector<2112x64xf32>
    %get3A_6 = arith.constant 0 : index
    %get3A_7 = arith.constant 0 : index
    %get3A_8 = vector.load %arg3[%get3A_6, %get3A_7] : memref<264x264xf32, #tpu.memory_space<vmem>>, vector<264x264xf32>
    %slice3A = vector.extract_strided_slice %mul3A_5 {offsets = [0, 0], sizes = [264, 64], strides = [1, 1]} : vector<2112x64xf32> to vector<264x64xf32>
    %dot_general3A = arith.constant dense<0.000000e+00> : vector<264x64xf32>
    %dot_general3A_9 = tpu.matmul %get3A_8, %slice3A, %dot_general3A {dimension_numbers = #tpu.dot_dimension_numbers<[1], [0], [0], [1], [0, 0, 1, 1], [], []>, transpose_lhs_hint = false} : vector<264x264xf32>, vector<264x64xf32>, vector<264x64xf32> -> vector<264x64xf32>
    %slice3A_10 = vector.extract_strided_slice %mul3A_5 {offsets = [264, 0], sizes = [264, 64], strides = [1, 1]} : vector<2112x64xf32> to vector<264x64xf32>
    %dot_general3A_11 = arith.constant dense<0.000000e+00> : vector<264x64xf32>
    %dot_general3A_12 = tpu.matmul %get3A_8, %slice3A_10, %dot_general3A_11 {dimension_numbers = #tpu.dot_dimension_numbers<[1], [0], [0], [1], [0, 0, 1, 1], [], []>, transpose_lhs_hint = false} : vector<264x264xf32>, vector<264x64xf32>, vector<264x64xf32> -> vector<264x64xf32>
    %slice3A_13 = vector.extract_strided_slice %mul3A_5 {offsets = [528, 0], sizes = [264, 64], strides = [1, 1]} : vector<2112x64xf32> to vector<264x64xf32>
    %dot_general3A_14 = arith.constant dense<0.000000e+00> : vector<264x64xf32>
    %dot_general3A_15 = tpu.matmul %get3A_8, %slice3A_13, %dot_general3A_14 {dimension_numbers = #tpu.dot_dimension_numbers<[1], [0], [0], [1], [0, 0, 1, 1], [], []>, transpose_lhs_hint = false} : vector<264x264xf32>, vector<264x64xf32>, vector<264x64xf32> -> vector<264x64xf32>
    %slice3A_16 = vector.extract_strided_slice %mul3A_5 {offsets = [792, 0], sizes = [264, 64], strides = [1, 1]} : vector<2112x64xf32> to vector<264x64xf32>
    %dot_general3A_17 = arith.constant dense<0.000000e+00> : vector<264x64xf32>
    %dot_general3A_18 = tpu.matmul %get3A_8, %slice3A_16, %dot_general3A_17 {dimension_numbers = #tpu.dot_dimension_numbers<[1], [0], [0], [1], [0, 0, 1, 1], [], []>, transpose_lhs_hint = false} : vector<264x264xf32>, vector<264x64xf32>, vector<264x64xf32> -> vector<264x64xf32>
    %slice3A_19 = vector.extract_strided_slice %mul3A_5 {offsets = [1056, 0], sizes = [264, 64], strides = [1, 1]} : vector<2112x64xf32> to vector<264x64xf32>
    %dot_general3A_20 = arith.constant dense<0.000000e+00> : vector<264x64xf32>
    %dot_general3A_21 = tpu.matmul %get3A_8, %slice3A_19, %dot_general3A_20 {dimension_numbers = #tpu.dot_dimension_numbers<[1], [0], [0], [1], [0, 0, 1, 1], [], []>, transpose_lhs_hint = false} : vector<264x264xf32>, vector<264x64xf32>, vector<264x64xf32> -> vector<264x64xf32>
    %slice3A_22 = vector.extract_strided_slice %mul3A_5 {offsets = [1320, 0], sizes = [264, 64], strides = [1, 1]} : vector<2112x64xf32> to vector<264x64xf32>
    %dot_general3A_23 = arith.constant dense<0.000000e+00> : vector<264x64xf32>
    %dot_general3A_24 = tpu.matmul %get3A_8, %slice3A_22, %dot_general3A_23 {dimension_numbers = #tpu.dot_dimension_numbers<[1], [0], [0], [1], [0, 0, 1, 1], [], []>, transpose_lhs_hint = false} : vector<264x264xf32>, vector<264x64xf32>, vector<264x64xf32> -> vector<264x64xf32>
    %slice3A_25 = vector.extract_strided_slice %mul3A_5 {offsets = [1584, 0], sizes = [264, 64], strides = [1, 1]} : vector<2112x64xf32> to vector<264x64xf32>
    %dot_general3A_26 = arith.constant dense<0.000000e+00> : vector<264x64xf32>
    %dot_general3A_27 = tpu.matmul %get3A_8, %slice3A_25, %dot_general3A_26 {dimension_numbers = #tpu.dot_dimension_numbers<[1], [0], [0], [1], [0, 0, 1, 1], [], []>, transpose_lhs_hint = false} : vector<264x264xf32>, vector<264x64xf32>, vector<264x64xf32> -> vector<264x64xf32>
    %slice3A_28 = vector.extract_strided_slice %mul3A_5 {offsets = [1848, 0], sizes = [264, 64], strides = [1, 1]} : vector<2112x64xf32> to vector<264x64xf32>
    %dot_general3A_29 = arith.constant dense<0.000000e+00> : vector<264x64xf32>
    %dot_general3A_30 = tpu.matmul %get3A_8, %slice3A_28, %dot_general3A_29 {dimension_numbers = #tpu.dot_dimension_numbers<[1], [0], [0], [1], [0, 0, 1, 1], [], []>, transpose_lhs_hint = false} : vector<264x264xf32>, vector<264x64xf32>, vector<264x64xf32> -> vector<264x64xf32>
    %concatenate3A = tpu.concatenate %dot_general3A_9, %dot_general3A_12, %dot_general3A_15, %dot_general3A_18, %dot_general3A_21, %dot_general3A_24, %dot_general3A_27, %dot_general3A_30 in 0 : vector<264x64xf32>, vector<264x64xf32>, vector<264x64xf32>, vector<264x64xf32>, vector<264x64xf32>, vector<264x64xf32>, vector<264x64xf32>, vector<264x64xf32> -> vector<2112x64xf32>
    %get3A_31 = arith.constant 0 : index
    %get3A_32 = arith.constant 0 : index
    %get3A_33 = vector.load %arg4[%get3A_31, %get3A_32] : memref<64x192xf32, #tpu.memory_space<vmem>>, vector<64x192xf32>
    %dot_general3A_34 = arith.constant dense<0.000000e+00> : vector<2112x192xf32>
    %dot_general3A_35 = tpu.matmul %concatenate3A, %get3A_33, %dot_general3A_34 {dimension_numbers = #tpu.dot_dimension_numbers<[1], [0], [0], [1], [0, 0, 1, 1], [], []>, transpose_lhs_hint = false} : vector<2112x64xf32>, vector<64x192xf32>, vector<2112x192xf32> -> vector<2112x192xf32>
    %get3A_36 = arith.constant 0 : index
    %get3A_37 = arith.constant 0 : index
    %get3A_38 = vector.load %arg5[%get3A_36, %get3A_37] : memref<1x192xf32, #tpu.memory_space<vmem>>, vector<1x192xf32>
    %add3A = vector.broadcast %get3A_38 : vector<1x192xf32> to vector<2112x192xf32>
    %add3A_39 = arith.addf %dot_general3A_35, %add3A : vector<2112x192xf32>
    %get3A_40 = arith.constant 0 : index
    %get3A_41 = arith.constant 0 : index
    %get3A_42 = vector.load %arg6[%get3A_40, %get3A_41] : memref<64x192xf32, #tpu.memory_space<vmem>>, vector<64x192xf32>
    %dot_general3A_43 = arith.constant dense<0.000000e+00> : vector<2112x192xf32>
    %dot_general3A_44 = tpu.matmul %get3A_1, %get3A_42, %dot_general3A_43 {dimension_numbers = #tpu.dot_dimension_numbers<[1], [0], [0], [1], [0, 0, 1, 1], [], []>, transpose_lhs_hint = false} : vector<2112x64xf32>, vector<64x192xf32>, vector<2112x192xf32> -> vector<2112x192xf32>
    %get3A_45 = arith.constant 0 : index
    %get3A_46 = arith.constant 0 : index
    %get3A_47 = vector.load %arg7[%get3A_45, %get3A_46] : memref<1x192xf32, #tpu.memory_space<vmem>>, vector<1x192xf32>
    %add3A_48 = vector.broadcast %get3A_47 : vector<1x192xf32> to vector<2112x192xf32>
    %add3A_49 = arith.addf %dot_general3A_44, %add3A_48 : vector<2112x192xf32>
    %add3A_50 = arith.addf %add3A_39, %add3A_49 : vector<2112x192xf32>
    %logistic3A = arith.negf %add3A_50 : vector<2112x192xf32>
    %logistic3A_51 = math.exp %logistic3A : vector<2112x192xf32>
    %logistic3A_52 = arith.constant 1.000000e+00 : f32
    %logistic3A_53 = vector.broadcast %logistic3A_52 : f32 to vector<2112x192xf32>
    %logistic3A_54 = arith.addf %logistic3A_53, %logistic3A_51 : vector<2112x192xf32>
    %logistic3A_55 = arith.divf %logistic3A_53, %logistic3A_54 : vector<2112x192xf32>
    %slice3A_56 = vector.extract_strided_slice %logistic3A_55 {offsets = [0, 0], sizes = [2112, 64], strides = [1, 1]} : vector<2112x192xf32> to vector<2112x64xf32>
    %slice3A_57 = vector.extract_strided_slice %logistic3A_55 {offsets = [0, 64], sizes = [2112, 64], strides = [1, 1]} : vector<2112x192xf32> to vector<2112x64xf32>
    %slice3A_58 = vector.extract_strided_slice %add3A_39 {offsets = [0, 128], sizes = [2112, 64], strides = [1, 1]} : vector<2112x192xf32> to vector<2112x64xf32>
    %slice3A_59 = vector.extract_strided_slice %add3A_49 {offsets = [0, 128], sizes = [2112, 64], strides = [1, 1]} : vector<2112x192xf32> to vector<2112x64xf32>
    %mul3A_60 = arith.mulf %slice3A_56, %slice3A_59 : vector<2112x64xf32>
    %add3A_61 = arith.addf %slice3A_58, %mul3A_60 : vector<2112x64xf32>
    %tanh3A = math.tanh %add3A_61 : vector<2112x64xf32>
    %sub3A = arith.constant 1.000000e+00 : f32
    %sub3A_62 = vector.broadcast %sub3A : f32 to vector<2112x64xf32>
    %sub3A_63 = arith.subf %sub3A_62, %slice3A_57 : vector<2112x64xf32>
    %mul3A_64 = arith.mulf %sub3A_63, %tanh3A : vector<2112x64xf32>
    %mul3A_65 = arith.mulf %slice3A_57, %get3A_1 : vector<2112x64xf32>
    %add3A_66 = arith.addf %mul3A_64, %mul3A_65 : vector<2112x64xf32>
    %swap3A = arith.constant 0 : index
    %swap3A_67 = arith.constant 0 : index
    %swap3A_68 = vector.load %arg8[%swap3A, %swap3A_67] : memref<2112x64xf32, #tpu.memory_space<vmem>>, vector<2112x64xf32>
    tpu.vector_store %arg8[%swap3A, %swap3A_67], %add3A_66 {strides = array<i32>} : memref<2112x64xf32, #tpu.memory_space<vmem>>, vector<2112x64xf32>,
    return
  }
  func.func @transform_0(%arg0: i32) -> (i32, i32) {
    %c0_i32 = arith.constant 0 : i32
    %c0_i32_0 = arith.constant 0 : i32
    return %arg0, %c0_i32 : i32, i32
  }
  func.func @transform_1(%arg0: i32) -> (i32, i32) {
    %c0_i32 = arith.constant 0 : i32
    %c0_i32_0 = arith.constant 0 : i32
    return %arg0, %c0_i32 : i32, i32
  }
  func.func @transform_2(%arg0: i32) -> (i32, i32) {
    %c0_i32 = arith.constant 0 : i32
    %c0_i32_0 = arith.constant 0 : i32
    %c0_i32_1 = arith.constant 0 : i32
    return %c0_i32, %c0_i32_0 : i32, i32
  }
  func.func @transform_3(%arg0: i32) -> (i32, i32) {
    %c0_i32 = arith.constant 0 : i32
    %c0_i32_0 = arith.constant 0 : i32
    %c0_i32_1 = arith.constant 0 : i32
    return %c0_i32, %c0_i32_0 : i32, i32
  }
  func.func @transform_4(%arg0: i32) -> (i32, i32) {
    %c0_i32 = arith.constant 0 : i32
    %c0_i32_0 = arith.constant 0 : i32
    %c0_i32_1 = arith.constant 0 : i32
    return %c0_i32, %c0_i32_0 : i32, i32
  }
  func.func @transform_5(%arg0: i32) -> (i32, i32) {
    %c0_i32 = arith.constant 0 : i32
    %c0_i32_0 = arith.constant 0 : i32
    %c0_i32_1 = arith.constant 0 : i32
    return %c0_i32, %c0_i32_0 : i32, i32
  }
  func.func @transform_6(%arg0: i32) -> (i32, i32) {
    %c0_i32 = arith.constant 0 : i32
    %c0_i32_0 = arith.constant 0 : i32
    %c0_i32_1 = arith.constant 0 : i32
    return %c0_i32, %c0_i32_0 : i32, i32
  }
  func.func @transform_7(%arg0: i32) -> (i32, i32) {
    %c0_i32 = arith.constant 0 : i32
    %c0_i32_0 = arith.constant 0 : i32
    return %arg0, %c0_i32 : i32, i32
  }
}

</mosaic_0001>

<sc_bundles>
// kernel: sparse-core-data-format-call.cloned.1.call-start
scs
called_computation_lowered:
.L_overlay_start_0:
0x0: {  	s2 =	sld [smem:$0x3FD9]  }
0x1: {  	s3 =	sld [smem:$0x3FFE];
	_ =	sdelay $0x1  }
0x2: {  	s1 =	srdreg.scid  }
0x3: {  	s0 =	sand.u32 $0x1, s1  }
0x4: {  	s18 =	sshll.u32 s0, $0xA;
	s2 =	sadd.s32 s3, s2  }
0x5: {  	s2 =	sadd.s32 s2, s18  }
0x6: {  	[smem:$0x3FC0] =	sst s2  }
0x7: {  	_ = 	snop  }
0x8: {  	s2 =	sld [smem:$0x3FD0];
	(tm) =	ssettm $0x1  }
0x9: {  	s19 =	sld [smem:$0x3FFB];
	_ =	sdelay $0x3  }
0xa: {  	_ =	strace s19  }
0xb: {  	s3 =	sld [smem:$0x3FFC];
	_ =	sdelay $0x3  }
0xc: {  	_ =	strace s3  }
0xd: {  	s3 =	sld [smem:$0x3FFD];
	_ =	sdelay $0x3  }
0xe: {  	_ =	strace s3  }
0xf: {  	_ =	strace $0x8FFFFFFF  }
0x10: {  	s20 =	sld [smem:$0x3FDB];
	_ =	sdelay $0x1  }
0x11: {  	s4 =	simm.s32 $_scs_section_size  }
0x12: {  	s5 =	simm.s32 $_size__tile_overlayer_lowered;
	s6 =	simm.s32 $_tile_overlayer_lowered  }
0x13: {  	s23 =	simm.s32 $0x1BFF;
	s22 =	sshll.u32 s6, $0x1;
	s3 =	sadd.s32 s4, s20  }
0x14: {  	s7 =	simm.s32 $0x0;
	s21 =	sshll.u32 s5, $0x1;
	s5 =	sadd.s32 s22, s3  }
0x15: {  	[timem:s7], [sflag:s23] =	dma.local [hbm:s5], s21  }
0x16: {  	_ =	swait.ge [sflag:s23], s21  }
0x17: {  	s4 =	ssub.s32 $0x0, s21;
	[sflag:s23] =	ssyncset.done $0x0  }
0x18: {  	[sflag:s23] =	ssyncadd.s32 s4;
	_ =	sdelay $0x1  }
0x19: {  	s24 =	simm.s32 $0x1B8B  }
0x1a: {  	_ =	swait.ge [sflag:s24], $0x1  }
0x1b: {  	[sflag:s24] =	ssyncset.done $0x0  }
0x1c: {  	s26 =	simm.s32 $0x1B8E;
	s25 =	sld [smem:$0x3FFE];
	[sflag:s24] =	ssyncadd.s32 $0xFFFFFFFF  }
0x1d: {  	s27 =	simm.s32 $execute0_lowered;
	[smem:$0x3FD2] =	sst s26  }
0x1e: {  	s5 =	sshll.u32 s27, $0x1;
	_ =	strace $0x80000046;
	[dreg:$0x1] =	wrdreg $0xFFFFFFFF  }
0x1f: {  	s28 =	simm.s32 $_size_execute0_lowered;
	s3 =	sadd.s32 s3, s5;
	[dreg:$0x0] =	wrdreg $0x0  }
0x20: {  	s5 =	sshll.u32 s28, $0x1;
	[dreg:$0x2] =	wrdreg s3  }
0x21: {  	[dreg:$0x3] =	wrdreg s5  }
0x22: {  	[dreg:$0x4] =	wrdreg $0xC0  }
0x23: {  	_ =	task [dreg:s7], $0x5FFFF  }
0x24: {  	[dreg:$0x1] =	wrdreg $0xFFFFFFFF  }
0x25: {  	[dreg:$0x0] =	wrdreg $0x60  }
0x26: {  	[dreg:$0x2] =	wrdreg s25  }
0x27: {  	[dreg:$0x3] =	wrdreg s2  }
0x28: {  	[dreg:$0x4] =	wrdreg $0x9  }
0x29: {  	_ =	task.clear_ibuf [dreg:s7], $0x5FFFF;
	_ =	strace $0x90000046  }
0x2a: {  	s29 =	simm.s32 $0x9;
	_ =	strace $0x80000048  }
0x2b: {  	_ =	swait.ge [sflag:s29], $0x1  }
0x2c: {  	[sflag:s29] =	ssyncadd.s32 $0xFFFFFFFF  }
0x2d: {  	_ =	strace $0x90000048  }
0x2e: {  	_ =	sfence  }
0x2f: {  	s30 =	sld [smem:$0x0];
	_ =	sdelay $0x2  }
0x30: {  	s31 =	sshll.u32 s1, $0xD;
	s1 =	sshrl.u32 s1, $0x2  }
0x31: {  	s3 =	sand.u32 $0x4000, s31;
	s1 =	sadd.s32 s1, s30  }
0x32: {  	s0 =	sor.u32 s3, s0;
	s1 =	sshll.u32 s1, $0x11  }
0x33: {  	s0 =	sor.u32 s1, s0  }
0x34: {  	s0 =	sadd.s32 $0x8F2B, s0  }
0x35: {  	[sflag:s0] =	ssyncadd.remote.s32 $0x1  }
0x36: {  	_ =	sfence.sel $0xFFFF  }
0x37: {  	[dreg:$0x0] =	wrdreg $0xFFFFFFFF;
	(pc) =	sbr.abs _section_cstart, $3  }
0x38: {  	[dreg:$0x1] =	wrdreg $0xFFFFFFFF  }
0x39: {  	_ =	task.clear_ibuf [dreg:s7], $0x2FFFF;
	_ =	strace $0x9FFFFFFF  }
0x3a: {  	(tm) =	ssettm $0x7FFFFFFF  }
0x3b: {  	_ =	shalt  }
tec
execute0_lowered:
.L_overlay_start_1:
0x0: {  	(tag) =	ssettag $0x1  }
0x1: {  	s0 =	srdreg.scid  }
0x2: {  	s1 =	sshll.u32 s0, $0x4  }
0x3: {  	s0 =	stileid.u32;
	s1 =	sand.u32 $0x10, s1  }
0x4: {  	s1 =	sor.u32 s0, s1  }
0x5: {  	s6 =	rddreg [dreg:$0x0];
	s4 =	simm.s32 $0x1;
	s2 =	sshll.u32 s1, $0x7  }
0x6: {  	s7 =	simm.s32 $0x2;
	s12 =	simm.s32 $0x0;
	s1 =	ssub.s32 $0x4000, s2  }
0x7: {  	s8 =	simm.s32 $0x20000;
	s13 =	simm.s32 $0x0;
	s3 =	sand.u32 $0xF80, s1  }
0x8: {  	s9 =	simm.s32 $0x0;
	s5 =	sshrl.u32 s1, $0xC;
	p0 =	sne.s32 s3, $0x0  }
.Ltmp0:
0x9: {  	s1 =	rddreg [dreg:$0x2];
	s4 =	simm.s32 @!p0 $0x0;
	(pc) =	sbr.rel .LBB1_1-.Ltmp0, $4  }
0xa: {  	s11 =	simm.s32 $0x0;
	s3 =	rddreg [dreg:$0x1];
	s5 =	sadd.s32 s4, s5  }
0xb: {  	_ =	strace $0x80000047;
	s4 =	simm.s32 $0x1;
	s5 =	smul.u32 $0x21, s5  }
0xc: {  	s6 =	sadd.s32 $0x1400, s6;
	s10 =	smov.u32 s2;
	[sflag:s4] =	ssyncpa.u1 $0x0  }
0xd: {  	p0 =	por $0x0, $0x0;
	[sflag:s7] =	ssyncpa.u1 $0x0;
	s7 =	sadd.s32 $0x1, s5  }
.LBB1_4:
0xe: {  	s16 =	sshll.u32 s13, $0x3;
	s17 =	sand.u32 $0x78, s13  }
0xf: {  	s30 =	sand.u32 $0x1F800, s13;
	s12 =	sshll.u32 s12, $0x11;
	s16 =	sand.u32 $0x3C00, s16  }
0x10: {  	[tilespmem:s15+$0x810 ss:$0x81] =	vst.msk $0xffff, v2;
	s31 =	sand.u32 $0x7, s13;
	s16 =	sor.u32 s17, s16;
	s17 =	sadd.s32 s3, s30  }
0x11: {  	[tilespmem:s15+$0x1020 ss:$0x81] =	vst.msk $0xffff, v0;
	s13 =	sshll.u32 s31, $0x12;
	s12 =	sadd.s32 s12, s17;
	s16 =	sshrl.u32 s16, $0x3  }
0x12: {  	[tilespmem:s15+$0x0 ss:$0x81] =	vst.msk $0xffff, v1;
	s13 =	sor.u32 $0x400, s13;
	s12 =	sadd.s32 s16, s12  }
0x13: {  	[hbm4b:s12+s13] =	stream.strided.scatter [tilespmem:s14], [sflag:$0x2], $0x2000, s8, s13, $0x20;
	[tilespmem:$0x8080] =	vst v63  }
.LBB1_5:
0x14: {  	s14 =	sadd.s32 $0x1, s9  }
0x15: {  	s12 =	sadd.s32 $0x1000, s10;
	s16 =	smov.u32 s10;
	p2 =	sgt.s32 s14, $0x20  }
0x16: {  	s16 =	smov.u32 @p2 s12  }
0x17: {  	s14 =	simm.s32 @p2 $0x0;
	p2 =	sgt.s32 s16, $0x3FFF  }
0x18: {  	s16 =	smov.u32 @p2 s2;
	p2 =	sne.s32 s11, s7  }
.Ltmp1:
0x19: {  	p1 =	slt.u32 s11, $0x2;
	(pc) =	sbr.rel @!p2 .LBB1_6-.Ltmp1, $4  }
0x1a: {  	s15 =	simm.s32 @!p1 $0x2  }
0x1b: {  	s13 =	smov.u32 s10;
	p0 =	por !p0, !p0;
	_ =	swait.ge @!p1 [sflag:s15], $0x2000  }
0x1c: {  	s12 =	smov.u32 s9;
	[sflag:s15] =	ssyncset.done @!p1 $0x0;
	s9 =	smov.u32 s14  }
0x1d: {  	s11 =	sadd.s32 $0x1, s11;
	[sflag:s15] =	ssyncadd.s32 @!p1 $0xFFFFE000;
	s10 =	smov.u32 s16  }
.LBB1_1:
0x1e: {  	p1 =	sge.u32 s11, s5  }
0x1f: {  	s14 =	sand.u32 @!p1 $0x1FFFFFF, s9  }
0x20: {  	s15 =	smulhi.u32 @!p1 $0x6666667, s14;
	_ =	sdelay $0x1  }
0x21: {  	s15 =	smul.u32 @!p1 $0x28, s15  }
0x22: {  	s16 =	sxor.u32 @!p1 $0xFFFFFFFF, s11;
	s17 =	smul.u32 @!p1 $0x280, s10  }
0x23: {  	s31 =	sadd.s32 $0xFFFFFFFF, s11;
	s16 =	sshll.u32 @!p1 s16, $0xD;
	s14 =	ssub.s32 @!p1 s14, s15  }
0x24: {  	s15 =	sand.u32 @!p1 $0x2000, s16;
	s16 =	sadd.s32 @!p1 s6, s17;
	s14 =	sshll.u32 @!p1 s14, $0x4  }
0x25: {  	s17 =	simm.s32 @!p1 $0x1400;
	s14 =	sadd.s32 @!p1 s14, s16;
	s16 =	simm.s32 @!p1 $0x40  }
0x26: {  	[tilespmem:s15], [sflag:$0x1] =	stream.strided.gather @!p1 [hbm4b:s14+s16], $0x2000, s17, s16, $0x38;
	[tilespmem:$0x8080] =	vst v63  }
0x27: {  	p1 =	sge.u32 s31, s5  }
.Ltmp2:
0x28: {  	_ = 	snop;
	(pc) =	sbr.rel @p1 .LBB1_5-.Ltmp2, $1  }
0x29: {  	_ =	sdelay $0x3  }
0x2a: {  	s14 =	simm.s32 $0x1  }
0x2b: {  	_ =	swait.ge [sflag:s4], $0x2000;
	s14 =	simm.s32 @!p0 $0x0  }
0x2c: {  	[sflag:s4] =	ssyncset.done $0x0;
	s15 =	sshll.u32 s14, $0xD  }
0x2d: {  	[sflag:s4] =	ssyncadd.s32 $0xFFFFE000;
	s18 =	sor.u32 $0x20, s15  }
0x2e: {  	s14 =	smul.u32 $0x8100, s14;
	v3 =	vld [tilespmem:s18+$0x10]  }
0x2f: {  	s30 =	sand.u32 $0x1, s11;
	v2 =	vld [tilespmem:s18+$0xFFFFFFF0]  }
0x30: {  	s15 =	smul.u32 $0x8100, s30;
	s14 =	sshrl.u32 s14, $0x2;
	v0 =	vld [tilespmem:s18+$0x0]  }
0x31: {  	v1 =	vld [tilespmem:s18+$0xFFFFFFE0];
	s16 =	sor.u32 $0x4000, s14  }
0x32: {  	s31 =	sshrl.u32 s15, $0x2;
	s15 =	sadd.s32 $0x0, s16  }
0x33: {  	s17 =	simm.s32 $0x4;
	s18 =	sadd.s32 $0x40, s18;
	s14 =	sor.u32 $0x4000, s31;
	[tilespmem:s15+$0x1830 ss:$0x81] =	vst.msk $0xffff, v3  }
.LBB1_3:
0x34: {  	v3 =	vld [tilespmem:s18+$0x10];
	p1 =	sne.s32 s17, $0x1FC;
	[tilespmem:s15+$0x810 ss:$0x81] =	vst.msk $0xffff, v2;
	s19 =	smov.u32 s17;
	s17 =	sadd.s32 $0x4, s17  }
.Ltmp3:
0x35: {  	v2 =	vld [tilespmem:s18+$0xFFFFFFF0];
	[tilespmem:s15+$0x1020 ss:$0x81] =	vst.msk $0xffff, v0;
	(pc) =	sbr.rel @p1 .LBB1_3-.Ltmp3, $4  }
0x36: {  	v0 =	vld [tilespmem:s18+$0x0];
	[tilespmem:s15+$0x0 ss:$0x81] =	vst.msk $0xffff, v1  }
0x37: {  	s15 =	sshra.s32 s19, $0x2;
	v1 =	vld [tilespmem:s18+$0xFFFFFFE0]  }
0x38: {  	s15 =	sadd.s32 s15, s16  }
0x39: {  	s18 =	sadd.s32 $0x40, s18;
	[tilespmem:s15+$0x1830 ss:$0x81] =	vst.msk $0xffff, v3  }
.Ltmp4:
0x3a: {  	_ = 	snop;
	(pc) =	sbr.rel .LBB1_4-.Ltmp4, $1  }
0x3b: {  	_ =	sdelay $0x3  }
.LBB1_6:
0x3c: {  	_ =	sfence.sel $0x180000  }
0x3d: {  	s2 =	simm.s32 $0x1;
	[bflag:$0x0] =	sbarrier.arrive $0xFFFF  }
0x3e: {  	s31 =	simm.s32 $0x2;
	[sflag:s2] =	ssyncpa.u1 $0x1  }
0x3f: {  	[sflag:s31] =	ssyncpa.u1 $0x1  }
0x40: {  	p0 =	sne.s32 s0, $0x0;
	_ =	strace $0x90000047  }
0x41: {  	s0 =	sadd.s32 @!p0 $0x100000, s1;
	[bflag:$0x2] =	sbarrier.arrive $0xFFFF  }
0x42: {  	[sflag:s0] =	ssyncadd.tile.s32 @!p0 $0x1;
	_ =	shalt  }
.Lfunc_end1:
_tile_overlayer_lowered:
.L_overlay_start_2:
0x43: {  	(tag) =	ssettag $0x2  }
0x44: {  	s0 =	rddreg [dreg:$0x0];
	s2 =	stileid.u32  }
0x45: {  	s1 =	rddreg [dreg:$0x1];
	p0 =	sne.s32 s2, $0x0  }
0x46: {  	s3 =	rddreg [dreg:$0x2];
	[bflag:$0x3] =	sbarrier.arrive $0xFFFF;
	s2 =	simm.s32 @!p0 $0x1C01  }
0x47: {  	[timem:s3], [sflag:s2] =	dma.local @!p0 [hbm:s0], s1  }
0x48: {  	s0 =	simm.s32 @!p0 $0x1  }
0x49: {  	_ =	swait.ge @!p0 [sflag:s0], s1  }
0x4a: {  	s1 =	ssub.s32 @!p0 $0x0, s1;
	[sflag:s0] =	ssyncset.done @!p0 $0x0  }
0x4b: {  	[sflag:s0] =	ssyncadd.s32 @!p0 s1  }
0x4c: {  	[bflag:$0x3] =	sbarrier.arrive $0xFFFF  }
0x4d: {  	_ =	shalt  }

</sc_bundles>
